<compile_context>
chip_gen: v7x
topology: tpu7x:2x2x1
jax: 0.10.2.dev20260603
libtpu: 0.0.44.dev20260713+nightly
codegen_flags: <defaults>
</compile_context>

<pallas_src>
import functools

import jax
import jax.numpy as jnp
from jax import lax
from jax.experimental import pallas as pl
from jax.experimental.pallas import tpu as pltpu
from jax.experimental.pallas import tpu_sc as plsc

_B = 16384
_D = 64
_NC = 2
_NS = 16
_NW = _NC * _NS
_BPW = _B // _NW


def _sc_gather(U, gmf_tab, mlp_tab, bias_tab):
    mesh = plsc.VectorSubcoreMesh(core_axis_name="c", subcore_axis_name="s")

    @functools.partial(
        pl.kernel,
        mesh=mesh,
        compiler_params=pltpu.CompilerParams(use_tc_tiling_on_sc=False),
        out_type=(
            jax.ShapeDtypeStruct((_B, _D), jnp.float32),
            jax.ShapeDtypeStruct((_B, _D), jnp.float32),
            jax.ShapeDtypeStruct((_B,), jnp.float32),
        ),
        scratch_types=[
            pltpu.VMEM((_BPW,), jnp.int32),
            pltpu.VMEM((_BPW, _D), jnp.float32),
            pltpu.VMEM((_BPW, _D), jnp.float32),
            pltpu.VMEM((_BPW,), jnp.float32),
            pltpu.SemaphoreType.DMA,
            pltpu.SemaphoreType.DMA,
            pltpu.SemaphoreType.DMA,
        ],
    )
    def k(u_hbm, g_hbm, m_hbm, b_hbm, out_g, out_m, out_b,
          idx_v, rows_g, rows_m, rows_b, sem_g, sem_m, sem_b):
        wid = lax.axis_index("s") * _NC + lax.axis_index("c")
        base = wid * _BPW
        pltpu.sync_copy(u_hbm.at[pl.ds(base, _BPW)], idx_v)
        cg = pltpu.async_copy(g_hbm.at[idx_v], rows_g, sem_g)
        cm = pltpu.async_copy(m_hbm.at[idx_v], rows_m, sem_m)
        cb = pltpu.async_copy(b_hbm.at[idx_v], rows_b, sem_b)
        cg.wait()
        pltpu.sync_copy(rows_g, out_g.at[pl.ds(base, _BPW)])
        cm.wait()
        pltpu.sync_copy(rows_m, out_m.at[pl.ds(base, _BPW)])
        cb.wait()
        pltpu.sync_copy(rows_b, out_b.at[pl.ds(base, _BPW)])

    return k(U, gmf_tab, mlp_tab, bias_tab.reshape(-1))


def _dense_body(e_ref, ug_ref, um_ref, ub_ref,
                wg_ref, bg_ref, wm_ref, bm_ref,
                w0a_ref, w0b_ref, b0_ref, w1_ref, b1_ref, w2_ref, b2_ref,
                wfg_ref, wfh_ref, wib_ref, c_ref, out_ref):
    e = e_ref[:]
    item_g = jnp.dot(e, wg_ref[:], preferred_element_type=jnp.float32) + bg_ref[:]
    gmf = ug_ref[:] * item_g
    item_m = jnp.dot(e, wm_ref[:], preferred_element_type=jnp.float32) + bm_ref[:]
    h = (jnp.dot(um_ref[:], w0a_ref[:], preferred_element_type=jnp.float32)
         + jnp.dot(item_m, w0b_ref[:], preferred_element_type=jnp.float32)
         + b0_ref[:])
    h = jnp.maximum(h, 0.0)
    h = jnp.maximum(jnp.dot(h, w1_ref[:], preferred_element_type=jnp.float32) + b1_ref[:], 0.0)
    h = jnp.maximum(jnp.dot(h, w2_ref[:], preferred_element_type=jnp.float32) + b2_ref[:], 0.0)
    pred = (jnp.sum(gmf * wfg_ref[:][None, :], axis=1)
            + jnp.sum(h * wfh_ref[:][None, :], axis=1)
            + jnp.sum(e * wib_ref[:][None, :], axis=1))
    pred = pred + ub_ref[:] + c_ref[0]
    out_ref[:] = jax.nn.sigmoid(pred)


def _tc_dense(E, ug, um, ub, Wg, bg, Wm, bm, W0a, W0b, b0, W1t, b1, W2t, b2,
              wfg, wfh, wib, c):
    grid = 8
    r = _B // grid

    def row2(d):
        return pl.BlockSpec((r, d), lambda i: (i, 0))

    row1 = pl.BlockSpec((r,), lambda i: (i,))

    def full2(a):
        return pl.BlockSpec(a.shape, lambda i: (0, 0))

    def full1(a):
        return pl.BlockSpec(a.shape, lambda i: (0,))

    return pl.pallas_call(
        _dense_body,
        grid=(grid,),
        in_specs=[row2(_D), row2(_D), row2(_D), row1,
                  full2(Wg), full1(bg), full2(Wm), full1(bm),
                  full2(W0a), full2(W0b), full1(b0),
                  full2(W1t), full1(b1), full2(W2t), full1(b2),
                  full1(wfg), full1(wfh), full1(wib), full1(c)],
        out_specs=row1,
        out_shape=jax.ShapeDtypeStruct((_B,), jnp.float32),
    )(E, ug, um, ub, Wg, bg, Wm, bm, W0a, W0b, b0, W1t, b1, W2t, b2,
      wfg, wfh, wib, c)


def kernel(U, E, user_emb_gmf, user_bias_tab, W_item_gmf, b_item_gmf,
           W_item_bias, b_item_bias, user_emb_mlp, W_item_mlp, b_item_mlp,
           W_mlp0, b_mlp0, W_mlp1, b_mlp1, W_mlp2, b_mlp2, W_final, b_final):
    u32 = U.astype(jnp.int32)
    ug, um, ub = _sc_gather(u32, user_emb_gmf, user_emb_mlp, user_bias_tab)
    Wg = W_item_gmf.T
    Wm = W_item_mlp.T
    W0a = W_mlp0[:, :_D].T
    W0b = W_mlp0[:, _D:].T
    W1t = W_mlp1.T
    W2t = W_mlp2.T
    wfg = W_final[0, :_D]
    wfh = W_final[0, _D:]
    wib = W_item_bias[0]
    c = b_final + b_item_bias
    return _tc_dense(E, ug, um, ub, Wg, b_item_gmf, Wm, b_item_mlp,
                     W0a, W0b, b_mlp0, W1t, b_mlp1, W2t, b_mlp2,
                     wfg, wfh, wib, c)

# --- scband reference (transcript-rebuilt; emitter-appended) ---
"""Pipeline reference for scband-ncfmodel-3341484556944 (READ-ONLY COPY).

The authoritative reference and input builder live on the scoring server;
editing this copy changes nothing except your own understanding.
"""

import jax, jax.numpy as jnp
import numpy as np

NUM_USERS = 1000000
EMB_DIM = 64
D = 64
MLP = [128, 64, 32]
B = 16384


def setup_inputs(seed: int = 0) -> dict:
    key = jax.random.key(seed)
    ks = jax.random.split(key, 16)
    inp = {}
    inp["U"] = jax.random.randint(ks[0], (B,), 0, NUM_USERS, dtype=jnp.int64 if jax.config.read('jax_enable_x64') else jnp.int32)
    inp["E"] = jax.random.normal(ks[1], (B, EMB_DIM), dtype=jnp.float32)
    # learned parameters
    inp["user_emb_gmf"] = jax.random.normal(ks[2], (NUM_USERS, D), dtype=jnp.float32) * 0.02
    inp["user_bias_tab"] = jax.random.normal(ks[3], (NUM_USERS, 1), dtype=jnp.float32) * 0.02
    inp["W_item_gmf"] = jax.random.normal(ks[4], (D, EMB_DIM), dtype=jnp.float32) * 0.05
    inp["b_item_gmf"] = jnp.zeros((D,), jnp.float32)
    inp["W_item_bias"] = jax.random.normal(ks[5], (1, EMB_DIM), dtype=jnp.float32) * 0.05
    inp["b_item_bias"] = jnp.zeros((1,), jnp.float32)
    inp["user_emb_mlp"] = jax.random.normal(ks[6], (NUM_USERS, D), dtype=jnp.float32) * 0.02
    inp["W_item_mlp"] = jax.random.normal(ks[7], (D, EMB_DIM), dtype=jnp.float32) * 0.05
    inp["b_item_mlp"] = jnp.zeros((D,), jnp.float32)
    prev = 2 * D
    for i, h in enumerate(MLP):
        inp[f"W_mlp{i}"] = jax.random.normal(ks[8 + i], (h, prev), dtype=jnp.float32) * 0.05
        inp[f"b_mlp{i}"] = jnp.zeros((h,), jnp.float32)
        prev = h
    inp["W_final"] = jax.random.normal(ks[12], (1, D + MLP[-1]), dtype=jnp.float32) * 0.05
    inp["b_final"] = jnp.zeros((1,), jnp.float32)
    return inp


def reference(U, E, user_emb_gmf, user_bias_tab, W_item_gmf, b_item_gmf,
              W_item_bias, b_item_bias, user_emb_mlp, W_item_mlp, b_item_mlp,
              W_mlp0, b_mlp0, W_mlp1, b_mlp1, W_mlp2, b_mlp2, W_final, b_final):
    # GMF branch
    user_emb_g = jnp.take(user_emb_gmf, U, axis=0)
    item_emb_g = E @ W_item_gmf.T + b_item_gmf
    gmf_output = user_emb_g * item_emb_g
    # MLP branch
    user_emb_m = jnp.take(user_emb_mlp, U, axis=0)
    item_emb_m = E @ W_item_mlp.T + b_item_mlp
    h = jnp.concatenate([user_emb_m, item_emb_m], axis=1)
    for W, b in ((W_mlp0, b_mlp0), (W_mlp1, b_mlp1), (W_mlp2, b_mlp2)):
        h = jax.nn.relu(h @ W.T + b)
        # dropout is identity in eval mode
    combined = jnp.concatenate([gmf_output, h], axis=1)
    user_bias = jnp.take(user_bias_tab, U, axis=0).squeeze()
    item_bias = (E @ W_item_bias.T + b_item_bias).squeeze()
    prediction = (combined @ W_final.T + b_final).squeeze() + user_bias + item_bias
    return jax.nn.sigmoid(prediction)

if __name__ == "__main__":
    import jax
    _d = setup_inputs()
    print(jax.jit(kernel)(*tuple(_d.values())))

</pallas_src>

<mosaic_0001>
#map = affine_map<(d0, d1) -> (0)>
#map1 = affine_map<(d0, d1) -> (0, 0)>
module attributes {stable_mosaic.version = 14 : i64} {
  func.func @k(%arg0: i32, %arg1: i32, %arg2: memref<16384xi32, #tpu.memory_space<hbm>>, %arg3: memref<1000000x64xf32, #tpu.memory_space<hbm>>, %arg4: memref<1000000x64xf32, #tpu.memory_space<hbm>>, %arg5: memref<1000000xf32, #tpu.memory_space<hbm>>, %arg6: memref<16384x64xf32, #tpu.memory_space<hbm>>, %arg7: memref<16384x64xf32, #tpu.memory_space<hbm>>, %arg8: memref<16384xf32, #tpu.memory_space<hbm>>, %arg9: memref<512xi32, #tpu.memory_space<vmem>>, %arg10: memref<512x64xf32, #tpu.memory_space<vmem>>, %arg11: memref<512x64xf32, #tpu.memory_space<vmem>>, %arg12: memref<512xf32, #tpu.memory_space<vmem>>, %arg13: memref<!tpu.dma_semaphore, #tpu.memory_space<semaphore_mem>>, %arg14: memref<!tpu.dma_semaphore, #tpu.memory_space<semaphore_mem>>, %arg15: memref<!tpu.dma_semaphore, #tpu.memory_space<semaphore_mem>>) attributes {dimension_semantics = [#tpu.dimension_semantics<core_parallel>, #tpu.dimension_semantics<subcore_parallel>], iteration_bounds = array<i64: 2, 16>, scalar_prefetch = 0 : i64, scratch_operands = 7 : i64, tpu.core_type = #tpu.core_type<sc_vector_subcore>, window_params = [{transform_indices = #map}, {transform_indices = #map1}, {transform_indices = #map1}, {transform_indices = #map}, {transform_indices = #map1}, {transform_indices = #map1}, {transform_indices = #map}]} {
    %mul3A = arith.constant 2 : i32
    %mul3A_0 = arith.muli %arg1, %mul3A : i32
    %add3A = arith.addi %mul3A_0, %arg0 : i32
    %mul3A_1 = arith.constant 512 : i32
    %mul3A_2 = arith.muli %add3A, %mul3A_1 : i32
    "tpu.region"() ({
      %run_scoped3A = tpu.sem_alloc : memref<!tpu.dma_semaphore, #tpu.memory_space<semaphore_mem>>
      %dma_start3A_17 = tpu.memref_slice %arg2[%mul3A_2] : memref<16384xi32, #tpu.memory_space<hbm>> -> memref<512xi32, #tpu.memory_space<hbm>>
      %dma_start3A_18 = tpu.memref_slice %arg2[%mul3A_2] : memref<16384xi32, #tpu.memory_space<hbm>> -> memref<512xi32, #tpu.memory_space<hbm>>
      tpu.enqueue_dma source(%dma_start3A_18 : memref<512xi32, #tpu.memory_space<hbm>>) target(%arg9 : memref<512xi32, #tpu.memory_space<vmem>>) target_semaphore(%run_scoped3A : memref<!tpu.dma_semaphore, #tpu.memory_space<semaphore_mem>>)
      %dma_wait3A_19 = tpu.memref_slice %arg2[%mul3A_2] : memref<16384xi32, #tpu.memory_space<hbm>> -> memref<512xi32, #tpu.memory_space<hbm>>
      %dma_wait3A_20 = tpu.memref_slice %arg2[%mul3A_2] : memref<16384xi32, #tpu.memory_space<hbm>> -> memref<512xi32, #tpu.memory_space<hbm>>
      tpu.wait_dma2 semaphore(%run_scoped3A : memref<!tpu.dma_semaphore, #tpu.memory_space<semaphore_mem>>) src(%dma_wait3A_20 : memref<512xi32, #tpu.memory_space<hbm>>) dst(%arg9 : memref<512xi32, #tpu.memory_space<vmem>>)
      tpu.yield
    }) : () -> ()
    %dma_start3A = arith.constant 0 : i32
    %dma_start3A_3 = arith.constant 0 : i32
    %dma_start3A_4 = tpu.memref_slice %arg3[%dma_start3A, %dma_start3A_3] : memref<1000000x64xf32, #tpu.memory_space<hbm>> -> memref<1000000x64xf32, #tpu.memory_space<hbm>>
    tpu.enqueue_indirect_dma source(%dma_start3A_4 : memref<1000000x64xf32, #tpu.memory_space<hbm>>) target(%arg10 : memref<512x64xf32, #tpu.memory_space<vmem>>) offsets(%arg9 : memref<512xi32, #tpu.memory_space<vmem>>) semaphore(%arg13 : memref<!tpu.dma_semaphore, #tpu.memory_space<semaphore_mem>>)
    %dma_start3A_5 = arith.constant 0 : i32
    %dma_start3A_6 = arith.constant 0 : i32
    %dma_start3A_7 = tpu.memref_slice %arg4[%dma_start3A_5, %dma_start3A_6] : memref<1000000x64xf32, #tpu.memory_space<hbm>> -> memref<1000000x64xf32, #tpu.memory_space<hbm>>
    tpu.enqueue_indirect_dma source(%dma_start3A_7 : memref<1000000x64xf32, #tpu.memory_space<hbm>>) target(%arg11 : memref<512x64xf32, #tpu.memory_space<vmem>>) offsets(%arg9 : memref<512xi32, #tpu.memory_space<vmem>>) semaphore(%arg14 : memref<!tpu.dma_semaphore, #tpu.memory_space<semaphore_mem>>)
    %dma_start3A_8 = arith.constant 0 : i32
    %dma_start3A_9 = tpu.memref_slice %arg5[%dma_start3A_8] : memref<1000000xf32, #tpu.memory_space<hbm>> -> memref<1000000xf32, #tpu.memory_space<hbm>>
    tpu.enqueue_indirect_dma source(%dma_start3A_9 : memref<1000000xf32, #tpu.memory_space<hbm>>) target(%arg12 : memref<512xf32, #tpu.memory_space<vmem>>) offsets(%arg9 : memref<512xi32, #tpu.memory_space<vmem>>) semaphore(%arg15 : memref<!tpu.dma_semaphore, #tpu.memory_space<semaphore_mem>>)
    %dma_wait3A = arith.constant 0 : i32
    %dma_wait3A_10 = arith.constant 0 : i32
    %dma_wait3A_11 = tpu.memref_slice %arg3[%dma_wait3A, %dma_wait3A_10] : memref<1000000x64xf32, #tpu.memory_space<hbm>> -> memref<1000000x64xf32, #tpu.memory_space<hbm>>
    tpu.wait_indirect_dma semaphore(%arg13 : memref<!tpu.dma_semaphore, #tpu.memory_space<semaphore_mem>>) src(%dma_wait3A_11 : memref<1000000x64xf32, #tpu.memory_space<hbm>>) dst(%arg10 : memref<512x64xf32, #tpu.memory_space<vmem>>)
    "tpu.region"() ({
      %run_scoped3A = tpu.sem_alloc : memref<!tpu.dma_semaphore, #tpu.memory_space<semaphore_mem>>
      %dma_start3A_17 = arith.constant 0 : i32
      %dma_start3A_18 = tpu.memref_slice %arg6[%mul3A_2, %dma_start3A_17] : memref<16384x64xf32, #tpu.memory_space<hbm>> -> memref<512x64xf32, #tpu.memory_space<hbm>>
      %dma_start3A_19 = arith.constant 0 : i32
      %dma_start3A_20 = tpu.memref_slice %arg6[%mul3A_2, %dma_start3A_19] : memref<16384x64xf32, #tpu.memory_space<hbm>> -> memref<512x64xf32, #tpu.memory_space<hbm>>
      tpu.enqueue_dma source(%arg10 : memref<512x64xf32, #tpu.memory_space<vmem>>) target(%dma_start3A_20 : memref<512x64xf32, #tpu.memory_space<hbm>>) target_semaphore(%run_scoped3A : memref<!tpu.dma_semaphore, #tpu.memory_space<semaphore_mem>>)
      %dma_wait3A_21 = arith.constant 0 : i32
      %dma_wait3A_22 = tpu.memref_slice %arg6[%mul3A_2, %dma_wait3A_21] : memref<16384x64xf32, #tpu.memory_space<hbm>> -> memref<512x64xf32, #tpu.memory_space<hbm>>
      %dma_wait3A_23 = arith.constant 0 : i32
      %dma_wait3A_24 = tpu.memref_slice %arg6[%mul3A_2, %dma_wait3A_23] : memref<16384x64xf32, #tpu.memory_space<hbm>> -> memref<512x64xf32, #tpu.memory_space<hbm>>
      tpu.wait_dma2 semaphore(%run_scoped3A : memref<!tpu.dma_semaphore, #tpu.memory_space<semaphore_mem>>) src(%arg10 : memref<512x64xf32, #tpu.memory_space<vmem>>) dst(%dma_wait3A_24 : memref<512x64xf32, #tpu.memory_space<hbm>>)
      tpu.yield
    }) : () -> ()
    %dma_wait3A_12 = arith.constant 0 : i32
    %dma_wait3A_13 = arith.constant 0 : i32
    %dma_wait3A_14 = tpu.memref_slice %arg4[%dma_wait3A_12, %dma_wait3A_13] : memref<1000000x64xf32, #tpu.memory_space<hbm>> -> memref<1000000x64xf32, #tpu.memory_space<hbm>>
    tpu.wait_indirect_dma semaphore(%arg14 : memref<!tpu.dma_semaphore, #tpu.memory_space<semaphore_mem>>) src(%dma_wait3A_14 : memref<1000000x64xf32, #tpu.memory_space<hbm>>) dst(%arg11 : memref<512x64xf32, #tpu.memory_space<vmem>>)
    "tpu.region"() ({
      %run_scoped3A = tpu.sem_alloc : memref<!tpu.dma_semaphore, #tpu.memory_space<semaphore_mem>>
      %dma_start3A_17 = arith.constant 0 : i32
      %dma_start3A_18 = tpu.memref_slice %arg7[%mul3A_2, %dma_start3A_17] : memref<16384x64xf32, #tpu.memory_space<hbm>> -> memref<512x64xf32, #tpu.memory_space<hbm>>
      %dma_start3A_19 = arith.constant 0 : i32
      %dma_start3A_20 = tpu.memref_slice %arg7[%mul3A_2, %dma_start3A_19] : memref<16384x64xf32, #tpu.memory_space<hbm>> -> memref<512x64xf32, #tpu.memory_space<hbm>>
      tpu.enqueue_dma source(%arg11 : memref<512x64xf32, #tpu.memory_space<vmem>>) target(%dma_start3A_20 : memref<512x64xf32, #tpu.memory_space<hbm>>) target_semaphore(%run_scoped3A : memref<!tpu.dma_semaphore, #tpu.memory_space<semaphore_mem>>)
      %dma_wait3A_21 = arith.constant 0 : i32
      %dma_wait3A_22 = tpu.memref_slice %arg7[%mul3A_2, %dma_wait3A_21] : memref<16384x64xf32, #tpu.memory_space<hbm>> -> memref<512x64xf32, #tpu.memory_space<hbm>>
      %dma_wait3A_23 = arith.constant 0 : i32
      %dma_wait3A_24 = tpu.memref_slice %arg7[%mul3A_2, %dma_wait3A_23] : memref<16384x64xf32, #tpu.memory_space<hbm>> -> memref<512x64xf32, #tpu.memory_space<hbm>>
      tpu.wait_dma2 semaphore(%run_scoped3A : memref<!tpu.dma_semaphore, #tpu.memory_space<semaphore_mem>>) src(%arg11 : memref<512x64xf32, #tpu.memory_space<vmem>>) dst(%dma_wait3A_24 : memref<512x64xf32, #tpu.memory_space<hbm>>)
      tpu.yield
    }) : () -> ()
    %dma_wait3A_15 = arith.constant 0 : i32
    %dma_wait3A_16 = tpu.memref_slice %arg5[%dma_wait3A_15] : memref<1000000xf32, #tpu.memory_space<hbm>> -> memref<1000000xf32, #tpu.memory_space<hbm>>
    tpu.wait_indirect_dma semaphore(%arg15 : memref<!tpu.dma_semaphore, #tpu.memory_space<semaphore_mem>>) src(%dma_wait3A_16 : memref<1000000xf32, #tpu.memory_space<hbm>>) dst(%arg12 : memref<512xf32, #tpu.memory_space<vmem>>)
    "tpu.region"() ({
      %run_scoped3A = tpu.sem_alloc : memref<!tpu.dma_semaphore, #tpu.memory_space<semaphore_mem>>
      %dma_start3A_17 = tpu.memref_slice %arg8[%mul3A_2] : memref<16384xf32, #tpu.memory_space<hbm>> -> memref<512xf32, #tpu.memory_space<hbm>>
      %dma_start3A_18 = tpu.memref_slice %arg8[%mul3A_2] : memref<16384xf32, #tpu.memory_space<hbm>> -> memref<512xf32, #tpu.memory_space<hbm>>
      tpu.enqueue_dma source(%arg12 : memref<512xf32, #tpu.memory_space<vmem>>) target(%dma_start3A_18 : memref<512xf32, #tpu.memory_space<hbm>>) target_semaphore(%run_scoped3A : memref<!tpu.dma_semaphore, #tpu.memory_space<semaphore_mem>>)
      %dma_wait3A_19 = tpu.memref_slice %arg8[%mul3A_2] : memref<16384xf32, #tpu.memory_space<hbm>> -> memref<512xf32, #tpu.memory_space<hbm>>
      %dma_wait3A_20 = tpu.memref_slice %arg8[%mul3A_2] : memref<16384xf32, #tpu.memory_space<hbm>> -> memref<512xf32, #tpu.memory_space<hbm>>
      tpu.wait_dma2 semaphore(%run_scoped3A : memref<!tpu.dma_semaphore, #tpu.memory_space<semaphore_mem>>) src(%arg12 : memref<512xf32, #tpu.memory_space<vmem>>) dst(%dma_wait3A_20 : memref<512xf32, #tpu.memory_space<hbm>>)
      tpu.yield
    }) : () -> ()
    return
  }
}

module attributes {stable_mosaic.version = 14 : i64} {
  func.func @_dense_body(%arg0: i32, %arg1: memref<2048x64xf32, #tpu.memory_space<vmem>>, %arg2: memref<2048x64xf32, #tpu.memory_space<vmem>>, %arg3: memref<2048x64xf32, #tpu.memory_space<vmem>>, %arg4: memref<2048xf32, #tpu.memory_space<vmem>>, %arg5: memref<64x64xf32, #tpu.memory_space<vmem>>, %arg6: memref<64xf32, #tpu.memory_space<vmem>>, %arg7: memref<64x64xf32, #tpu.memory_space<vmem>>, %arg8: memref<64xf32, #tpu.memory_space<vmem>>, %arg9: memref<64x128xf32, #tpu.memory_space<vmem>>, %arg10: memref<64x128xf32, #tpu.memory_space<vmem>>, %arg11: memref<128xf32, #tpu.memory_space<vmem>>, %arg12: memref<128x64xf32, #tpu.memory_space<vmem>>, %arg13: memref<64xf32, #tpu.memory_space<vmem>>, %arg14: memref<64x32xf32, #tpu.memory_space<vmem>>, %arg15: memref<32xf32, #tpu.memory_space<vmem>>, %arg16: memref<64xf32, #tpu.memory_space<vmem>>, %arg17: memref<32xf32, #tpu.memory_space<vmem>>, %arg18: memref<64xf32, #tpu.memory_space<vmem>>, %arg19: memref<1xf32, #tpu.memory_space<vmem>>, %arg20: memref<2048xf32, #tpu.memory_space<vmem>>) attributes {dimension_semantics = [#tpu.dimension_semantics<arbitrary>], iteration_bounds = array<i64: 8>, scalar_prefetch = 0 : i64, scratch_operands = 0 : i64, tpu.core_type = #tpu.core_type<tc>, window_params = [{transform_indices = @transform_0, window_bounds = array<i64: 2048, 64>}, {transform_indices = @transform_1, window_bounds = array<i64: 2048, 64>}, {transform_indices = @transform_2, window_bounds = array<i64: 2048, 64>}, {transform_indices = @transform_3, window_bounds = array<i64: 2048>}, {pipeline_mode = #tpu.pipeline_mode<synchronous>, transform_indices = @transform_4, window_bounds = array<i64: 64, 64>}, {pipeline_mode = #tpu.pipeline_mode<synchronous>, transform_indices = @transform_5, window_bounds = array<i64: 64>}, {pipeline_mode = #tpu.pipeline_mode<synchronous>, transform_indices = @transform_6, window_bounds = array<i64: 64, 64>}, {pipeline_mode = #tpu.pipeline_mode<synchronous>, transform_indices = @transform_7, window_bounds = array<i64: 64>}, {pipeline_mode = #tpu.pipeline_mode<synchronous>, transform_indices = @transform_8, window_bounds = array<i64: 64, 128>}, {pipeline_mode = #tpu.pipeline_mode<synchronous>, transform_indices = @transform_9, window_bounds = array<i64: 64, 128>}, {pipeline_mode = #tpu.pipeline_mode<synchronous>, transform_indices = @transform_10, window_bounds = array<i64: 128>}, {pipeline_mode = #tpu.pipeline_mode<synchronous>, transform_indices = @transform_11, window_bounds = array<i64: 128, 64>}, {pipeline_mode = #tpu.pipeline_mode<synchronous>, transform_indices = @transform_12, window_bounds = array<i64: 64>}, {pipeline_mode = #tpu.pipeline_mode<synchronous>, transform_indices = @transform_13, window_bounds = array<i64: 64, 32>}, {pipeline_mode = #tpu.pipeline_mode<synchronous>, transform_indices = @transform_14, window_bounds = array<i64: 32>}, {pipeline_mode = #tpu.pipeline_mode<synchronous>, transform_indices = @transform_15, window_bounds = array<i64: 64>}, {pipeline_mode = #tpu.pipeline_mode<synchronous>, transform_indices = @transform_16, window_bounds = array<i64: 32>}, {pipeline_mode = #tpu.pipeline_mode<synchronous>, transform_indices = @transform_17, window_bounds = array<i64: 64>}, {pipeline_mode = #tpu.pipeline_mode<synchronous>, transform_indices = @transform_18, window_bounds = array<i64: 1>}, {transform_indices = @transform_19, window_bounds = array<i64: 2048>}]} {
    %get3A = arith.constant 0 : index
    %get3A_0 = arith.constant 0 : index
    %get3A_1 = vector.load %arg1[%get3A, %get3A_0] : memref<2048x64xf32, #tpu.memory_space<vmem>>, vector<2048x64xf32>
    %get3A_2 = arith.constant 0 : index
    %get3A_3 = arith.constant 0 : index
    %get3A_4 = vector.load %arg5[%get3A_2, %get3A_3] : memref<64x64xf32, #tpu.memory_space<vmem>>, vector<64x64xf32>
    %dot_general3A = arith.constant dense<0.000000e+00> : vector<2048x64xf32>
    %dot_general3A_5 = tpu.matmul %get3A_1, %get3A_4, %dot_general3A {dimension_numbers = #tpu.dot_dimension_numbers<[1], [0], [0], [1], [0, 0, 1, 1], [], []>, transpose_lhs_hint = false} : vector<2048x64xf32>, vector<64x64xf32>, vector<2048x64xf32> -> vector<2048x64xf32>
    %get3A_6 = arith.constant 0 : index
    %get3A_7 = vector.load %arg6[%get3A_6] : memref<64xf32, #tpu.memory_space<vmem>>, vector<64xf32>
    %broadcast_in_dim3A = vector.shape_cast %get3A_7 : vector<64xf32> to vector<1x64xf32>
    %add3A = vector.broadcast %broadcast_in_dim3A : vector<1x64xf32> to vector<2048x64xf32>
    %add3A_8 = arith.addf %dot_general3A_5, %add3A : vector<2048x64xf32>
    %get3A_9 = arith.constant 0 : index
    %get3A_10 = arith.constant 0 : index
    %get3A_11 = vector.load %arg2[%get3A_9, %get3A_10] : memref<2048x64xf32, #tpu.memory_space<vmem>>, vector<2048x64xf32>
    %mul3A = arith.mulf %get3A_11, %add3A_8 : vector<2048x64xf32>
    %get3A_12 = arith.constant 0 : index
    %get3A_13 = arith.constant 0 : index
    %get3A_14 = vector.load %arg7[%get3A_12, %get3A_13] : memref<64x64xf32, #tpu.memory_space<vmem>>, vector<64x64xf32>
    %dot_general3A_15 = arith.constant dense<0.000000e+00> : vector<2048x64xf32>
    %dot_general3A_16 = tpu.matmul %get3A_1, %get3A_14, %dot_general3A_15 {dimension_numbers = #tpu.dot_dimension_numbers<[1], [0], [0], [1], [0, 0, 1, 1], [], []>, transpose_lhs_hint = false} : vector<2048x64xf32>, vector<64x64xf32>, vector<2048x64xf32> -> vector<2048x64xf32>
    %get3A_17 = arith.constant 0 : index
    %get3A_18 = vector.load %arg8[%get3A_17] : memref<64xf32, #tpu.memory_space<vmem>>, vector<64xf32>
    %broadcast_in_dim3A_19 = vector.shape_cast %get3A_18 : vector<64xf32> to vector<1x64xf32>
    %add3A_20 = vector.broadcast %broadcast_in_dim3A_19 : vector<1x64xf32> to vector<2048x64xf32>
    %add3A_21 = arith.addf %dot_general3A_16, %add3A_20 : vector<2048x64xf32>
    %get3A_22 = arith.constant 0 : index
    %get3A_23 = arith.constant 0 : index
    %get3A_24 = vector.load %arg3[%get3A_22, %get3A_23] : memref<2048x64xf32, #tpu.memory_space<vmem>>, vector<2048x64xf32>
    %get3A_25 = arith.constant 0 : index
    %get3A_26 = arith.constant 0 : index
    %get3A_27 = vector.load %arg9[%get3A_25, %get3A_26] : memref<64x128xf32, #tpu.memory_space<vmem>>, vector<64x128xf32>
    %dot_general3A_28 = arith.constant dense<0.000000e+00> : vector<2048x128xf32>
    %dot_general3A_29 = tpu.matmul %get3A_24, %get3A_27, %dot_general3A_28 {dimension_numbers = #tpu.dot_dimension_numbers<[1], [0], [0], [1], [0, 0, 1, 1], [], []>, transpose_lhs_hint = false} : vector<2048x64xf32>, vector<64x128xf32>, vector<2048x128xf32> -> vector<2048x128xf32>
    %get3A_30 = arith.constant 0 : index
    %get3A_31 = arith.constant 0 : index
    %get3A_32 = vector.load %arg10[%get3A_30, %get3A_31] : memref<64x128xf32, #tpu.memory_space<vmem>>, vector<64x128xf32>
    %dot_general3A_33 = arith.constant dense<0.000000e+00> : vector<2048x128xf32>
    %dot_general3A_34 = tpu.matmul %add3A_21, %get3A_32, %dot_general3A_33 {dimension_numbers = #tpu.dot_dimension_numbers<[1], [0], [0], [1], [0, 0, 1, 1], [], []>, transpose_lhs_hint = false} : vector<2048x64xf32>, vector<64x128xf32>, vector<2048x128xf32> -> vector<2048x128xf32>
    %add3A_35 = arith.addf %dot_general3A_29, %dot_general3A_34 : vector<2048x128xf32>
    %get3A_36 = arith.constant 0 : index
    %get3A_37 = vector.load %arg11[%get3A_36] : memref<128xf32, #tpu.memory_space<vmem>>, vector<128xf32>
    %broadcast_in_dim3A_38 = vector.shape_cast %get3A_37 : vector<128xf32> to vector<1x128xf32>
    %add3A_39 = vector.broadcast %broadcast_in_dim3A_38 : vector<1x128xf32> to vector<2048x128xf32>
    %add3A_40 = arith.addf %add3A_35, %add3A_39 : vector<2048x128xf32>
    %max3A = arith.constant 0.000000e+00 : f32
    %max3A_41 = vector.broadcast %max3A : f32 to vector<2048x128xf32>
    %max3A_42 = arith.maximumf %add3A_40, %max3A_41 : vector<2048x128xf32>
    %get3A_43 = arith.constant 0 : index
    %get3A_44 = arith.constant 0 : index
    %get3A_45 = vector.load %arg12[%get3A_43, %get3A_44] : memref<128x64xf32, #tpu.memory_space<vmem>>, vector<128x64xf32>
    %dot_general3A_46 = arith.constant dense<0.000000e+00> : vector<2048x64xf32>
    %dot_general3A_47 = tpu.matmul %max3A_42, %get3A_45, %dot_general3A_46 {dimension_numbers = #tpu.dot_dimension_numbers<[1], [0], [0], [1], [0, 0, 1, 1], [], []>, transpose_lhs_hint = false} : vector<2048x128xf32>, vector<128x64xf32>, vector<2048x64xf32> -> vector<2048x64xf32>
    %get3A_48 = arith.constant 0 : index
    %get3A_49 = vector.load %arg13[%get3A_48] : memref<64xf32, #tpu.memory_space<vmem>>, vector<64xf32>
    %broadcast_in_dim3A_50 = vector.shape_cast %get3A_49 : vector<64xf32> to vector<1x64xf32>
    %add3A_51 = vector.broadcast %broadcast_in_dim3A_50 : vector<1x64xf32> to vector<2048x64xf32>
    %add3A_52 = arith.addf %dot_general3A_47, %add3A_51 : vector<2048x64xf32>
    %max3A_53 = arith.constant 0.000000e+00 : f32
    %max3A_54 = vector.broadcast %max3A_53 : f32 to vector<2048x64xf32>
    %max3A_55 = arith.maximumf %add3A_52, %max3A_54 : vector<2048x64xf32>
    %get3A_56 = arith.constant 0 : index
    %get3A_57 = arith.constant 0 : index
    %get3A_58 = vector.load %arg14[%get3A_56, %get3A_57] : memref<64x32xf32, #tpu.memory_space<vmem>>, vector<64x32xf32>
    %dot_general3A_59 = arith.constant dense<0.000000e+00> : vector<2048x32xf32>
    %dot_general3A_60 = tpu.matmul %max3A_55, %get3A_58, %dot_general3A_59 {dimension_numbers = #tpu.dot_dimension_numbers<[1], [0], [0], [1], [0, 0, 1, 1], [], []>, transpose_lhs_hint = false} : vector<2048x64xf32>, vector<64x32xf32>, vector<2048x32xf32> -> vector<2048x32xf32>
    %get3A_61 = arith.constant 0 : index
    %get3A_62 = vector.load %arg15[%get3A_61] : memref<32xf32, #tpu.memory_space<vmem>>, vector<32xf32>
    %broadcast_in_dim3A_63 = vector.shape_cast %get3A_62 : vector<32xf32> to vector<1x32xf32>
    %add3A_64 = vector.broadcast %broadcast_in_dim3A_63 : vector<1x32xf32> to vector<2048x32xf32>
    %add3A_65 = arith.addf %dot_general3A_60, %add3A_64 : vector<2048x32xf32>
    %max3A_66 = arith.constant 0.000000e+00 : f32
    %max3A_67 = vector.broadcast %max3A_66 : f32 to vector<2048x32xf32>
    %max3A_68 = arith.maximumf %add3A_65, %max3A_67 : vector<2048x32xf32>
    %get3A_69 = arith.constant 0 : index
    %get3A_70 = vector.load %arg16[%get3A_69] : memref<64xf32, #tpu.memory_space<vmem>>, vector<64xf32>
    %broadcast_in_dim3A_71 = vector.shape_cast %get3A_70 : vector<64xf32> to vector<1x64xf32>
    %mul3A_72 = vector.broadcast %broadcast_in_dim3A_71 : vector<1x64xf32> to vector<2048x64xf32>
    %mul3A_73 = arith.mulf %mul3A, %mul3A_72 : vector<2048x64xf32>
    %reduce_sum3A = arith.constant dense<0.000000e+00> : vector<2048xf32>
    %reduce_sum3A_74 = vector.multi_reduction <add>, %mul3A_73, %reduce_sum3A [1] : vector<2048x64xf32> to vector<2048xf32>
    %get3A_75 = arith.constant 0 : index
    %get3A_76 = vector.load %arg17[%get3A_75] : memref<32xf32, #tpu.memory_space<vmem>>, vector<32xf32>
    %broadcast_in_dim3A_77 = vector.shape_cast %get3A_76 : vector<32xf32> to vector<1x32xf32>
    %mul3A_78 = vector.broadcast %broadcast_in_dim3A_77 : vector<1x32xf32> to vector<2048x32xf32>
    %mul3A_79 = arith.mulf %max3A_68, %mul3A_78 : vector<2048x32xf32>
    %reduce_sum3A_80 = arith.constant dense<0.000000e+00> : vector<2048xf32>
    %reduce_sum3A_81 = vector.multi_reduction <add>, %mul3A_79, %reduce_sum3A_80 [1] : vector<2048x32xf32> to vector<2048xf32>
    %add3A_82 = arith.addf %reduce_sum3A_74, %reduce_sum3A_81 : vector<2048xf32>
    %get3A_83 = arith.constant 0 : index
    %get3A_84 = vector.load %arg18[%get3A_83] : memref<64xf32, #tpu.memory_space<vmem>>, vector<64xf32>
    %broadcast_in_dim3A_85 = vector.shape_cast %get3A_84 : vector<64xf32> to vector<1x64xf32>
    %mul3A_86 = vector.broadcast %broadcast_in_dim3A_85 : vector<1x64xf32> to vector<2048x64xf32>
    %mul3A_87 = arith.mulf %get3A_1, %mul3A_86 : vector<2048x64xf32>
    %reduce_sum3A_88 = arith.constant dense<0.000000e+00> : vector<2048xf32>
    %reduce_sum3A_89 = vector.multi_reduction <add>, %mul3A_87, %reduce_sum3A_88 [1] : vector<2048x64xf32> to vector<2048xf32>
    %add3A_90 = arith.addf %add3A_82, %reduce_sum3A_89 : vector<2048xf32>
    %get3A_91 = arith.constant 0 : index
    %get3A_92 = vector.load %arg4[%get3A_91] : memref<2048xf32, #tpu.memory_space<vmem>>, vector<2048xf32>
    %add3A_93 = arith.addf %add3A_90, %get3A_92 : vector<2048xf32>
    %get3A_94 = arith.constant 0 : index
    %get3A_95 = vector.load %arg19[%get3A_94] : memref<1xf32, #tpu.memory_space<vmem>>, vector<1xf32>
    %get3A_96 = vector.extract %get3A_95[0] : f32 from vector<1xf32>
    %add3A_97 = vector.broadcast %get3A_96 : f32 to vector<2048xf32>
    %add3A_98 = arith.addf %add3A_93, %add3A_97 : vector<2048xf32>
    %logistic3A = arith.negf %add3A_98 : vector<2048xf32>
    %logistic3A_99 = math.exp %logistic3A : vector<2048xf32>
    %logistic3A_100 = arith.constant 1.000000e+00 : f32
    %logistic3A_101 = vector.broadcast %logistic3A_100 : f32 to vector<2048xf32>
    %logistic3A_102 = arith.addf %logistic3A_101, %logistic3A_99 : vector<2048xf32>
    %logistic3A_103 = arith.divf %logistic3A_101, %logistic3A_102 : vector<2048xf32>
    %swap3A = arith.constant 0 : index
    %swap3A_104 = vector.load %arg20[%swap3A] : memref<2048xf32, #tpu.memory_space<vmem>>, vector<2048xf32>
    tpu.vector_store %arg20[%swap3A], %logistic3A_103 {strides = array<i32>} : memref<2048xf32, #tpu.memory_space<vmem>>, vector<2048xf32>,
    return
  }
  func.func @transform_0(%arg0: i32) -> (i32, i32) {
    %c0_i32 = arith.constant 0 : i32
    %c0_i32_0 = arith.constant 0 : i32
    return %arg0, %c0_i32 : i32, i32
  }
  func.func @transform_1(%arg0: i32) -> (i32, i32) {
    %c0_i32 = arith.constant 0 : i32
    %c0_i32_0 = arith.constant 0 : i32
    return %arg0, %c0_i32 : i32, i32
  }
  func.func @transform_2(%arg0: i32) -> (i32, i32) {
    %c0_i32 = arith.constant 0 : i32
    %c0_i32_0 = arith.constant 0 : i32
    return %arg0, %c0_i32 : i32, i32
  }
  func.func @transform_3(%arg0: i32) -> i32 {
    %c0_i32 = arith.constant 0 : i32
    return %arg0 : i32
  }
  func.func @transform_4(%arg0: i32) -> (i32, i32) {
    %c0_i32 = arith.constant 0 : i32
    %c0_i32_0 = arith.constant 0 : i32
    %c0_i32_1 = arith.constant 0 : i32
    return %c0_i32, %c0_i32_0 : i32, i32
  }
  func.func @transform_5(%arg0: i32) -> i32 {
    %c0_i32 = arith.constant 0 : i32
    %c0_i32_0 = arith.constant 0 : i32
    return %c0_i32 : i32
  }
  func.func @transform_6(%arg0: i32) -> (i32, i32) {
    %c0_i32 = arith.constant 0 : i32
    %c0_i32_0 = arith.constant 0 : i32
    %c0_i32_1 = arith.constant 0 : i32
    return %c0_i32, %c0_i32_0 : i32, i32
  }
  func.func @transform_7(%arg0: i32) -> i32 {
    %c0_i32 = arith.constant 0 : i32
    %c0_i32_0 = arith.constant 0 : i32
    return %c0_i32 : i32
  }
  func.func @transform_8(%arg0: i32) -> (i32, i32) {
    %c0_i32 = arith.constant 0 : i32
    %c0_i32_0 = arith.constant 0 : i32
    %c0_i32_1 = arith.constant 0 : i32
    return %c0_i32, %c0_i32_0 : i32, i32
  }
  func.func @transform_9(%arg0: i32) -> (i32, i32) {
    %c0_i32 = arith.constant 0 : i32
    %c0_i32_0 = arith.constant 0 : i32
    %c0_i32_1 = arith.constant 0 : i32
    return %c0_i32, %c0_i32_0 : i32, i32
  }
  func.func @transform_10(%arg0: i32) -> i32 {
    %c0_i32 = arith.constant 0 : i32
    %c0_i32_0 = arith.constant 0 : i32
    return %c0_i32 : i32
  }
  func.func @transform_11(%arg0: i32) -> (i32, i32) {
    %c0_i32 = arith.constant 0 : i32
    %c0_i32_0 = arith.constant 0 : i32
    %c0_i32_1 = arith.constant 0 : i32
    return %c0_i32, %c0_i32_0 : i32, i32
  }
  func.func @transform_12(%arg0: i32) -> i32 {
    %c0_i32 = arith.constant 0 : i32
    %c0_i32_0 = arith.constant 0 : i32
    return %c0_i32 : i32
  }
  func.func @transform_13(%arg0: i32) -> (i32, i32) {
    %c0_i32 = arith.constant 0 : i32
    %c0_i32_0 = arith.constant 0 : i32
    %c0_i32_1 = arith.constant 0 : i32
    return %c0_i32, %c0_i32_0 : i32, i32
  }
  func.func @transform_14(%arg0: i32) -> i32 {
    %c0_i32 = arith.constant 0 : i32
    %c0_i32_0 = arith.constant 0 : i32
    return %c0_i32 : i32
  }
  func.func @transform_15(%arg0: i32) -> i32 {
    %c0_i32 = arith.constant 0 : i32
    %c0_i32_0 = arith.constant 0 : i32
    return %c0_i32 : i32
  }
  func.func @transform_16(%arg0: i32) -> i32 {
    %c0_i32 = arith.constant 0 : i32
    %c0_i32_0 = arith.constant 0 : i32
    return %c0_i32 : i32
  }
  func.func @transform_17(%arg0: i32) -> i32 {
    %c0_i32 = arith.constant 0 : i32
    %c0_i32_0 = arith.constant 0 : i32
    return %c0_i32 : i32
  }
  func.func @transform_18(%arg0: i32) -> i32 {
    %c0_i32 = arith.constant 0 : i32
    %c0_i32_0 = arith.constant 0 : i32
    return %c0_i32 : i32
  }
  func.func @transform_19(%arg0: i32) -> i32 {
    %c0_i32 = arith.constant 0 : i32
    return %arg0 : i32
  }
}

</mosaic_0001>

<sc_bundles>
// kernel: kernel.4.cloned.1.call-start
scs
__scs_entry_jumppad:
0x0: {  	(pc) =	sbr.rel $0x88, $3  }
0x1: {  	(tag) =	ssettag $0x0;
	lr =	simm.s32 $0x1  }
0x2: {  	[smem:$0x3F8E] =	sst lr;
	_ =	strace $0xD0000000  }
0x3: {  	_ = 	snop  }
0x4: {  	_ = 	snop  }
0x5: {  	_ = 	snop  }
0x6: {  	_ = 	snop  }
0x7: {  	_ = 	snop  }
__scs_overlays_trampoline_lowered:
0x8: {  	[smem:$0x3F9D] =	sst s0  }
0x9: {  	[smem:$0x3F9E] =	sst s1  }
0xa: {  	[smem:$0x3F9F] =	sst s2  }
0xb: {  	[smem:$0x3FA0] =	sst s3  }
0xc: {  	[smem:$0x3FA1] =	sst s4  }
0xd: {  	[smem:$0x3FA2] =	sst s5  }
0xe: {  	[smem:$0x3FA3] =	sst s6  }
0xf: {  	[smem:$0x3FA4] =	sst s7  }
0x10: {  	[smem:$0x3FA5] =	sst s8  }
0x11: {  	[smem:$0x3FA6] =	sst s9;
	s0 =	simm.s32 @!p0 $0x0  }
0x12: {  	s1 =	sld [smem:$0x3F8C];
	s0 =	simm.s32 @p0 $0x1  }
0x13: {  	[smem:$0x3FA7] =	sst s0;
	s0 =	simm.s32 @!p1 $0x0  }
0x14: {  	s2 =	sld [smem:$0x3F8B];
	s0 =	simm.s32 @p1 $0x1  }
0x15: {  	[smem:$0x3FA8] =	sst s0;
	s0 =	simm.s32 @!p2 $0x0  }
0x16: {  	s3 =	sld [smem:$0x3FDB];
	s0 =	simm.s32 @p2 $0x1  }
0x17: {  	s4 =	simm.s32 $0x1BF5;
	[smem:$0x3FAA] =	sst s0  }
0x18: {  	s0 =	sld [smem:$0x3F8D];
	_ =	swait.ge [sflag:s4], $0x0  }
0x19: {  	s7 =	sld [smem:$0x3F8E]  }
0x1a: {  	s8 =	sadd.s32 $0xFFFFE003, lr  }
0x1b: {  	s9 =	sadd.s32 $0xFFFFFEF7, lr;
	s5 =	simm.s32 $0xFFFFFFFF;
	p2 =	slt.u32 s8, $0xFFFFF086  }
0x1c: {  	p1 =	slt.u32 s9, $0xF7A;
	s5 =	simm.s32 @!p2 $0x0  }
0x1d: {  	s5 =	simm.s32 @p1 $0x1;
	p0 =	seq.s32 s7, s2  }
0x1e: {  	s7 =	smul.u32 @!p0 $0xF7A, s2;
	p2 =	seq.s32 @!p0 s5, $0x0  }
0x1f: {  	s9 =	smul.u32 $0xF7A, s1;
	s8 =	simm.s32 @!p0 $0x1BF5;
	p2 =	por !p2, p0  }
0x20: {  	[sflag:s8] =	ssyncset.s32 @!p0 $0xFFFFF086;
	s6 =	sadd.s32 @!p0 s3, s7;
	s7 =	simm.s32 @!p0 $0x108  }
0x21: {  	s3 =	sadd.s32 s3, s9;
	s6 =	sadd.s32 @!p0 $0x88, s6;
	s7 =	simm.s32 @p2 $0x1082  }
0x22: {  	[simem:s7], [sflag:s8] =	dma.local @!p0 [hbm:s6], $0xF7A  }
0x23: {  	s9 =	sor.u32 $0xD0000000, s2;
	s6 =	simm.s32 $0x108;
	_ =	swait.ge @!p0 [sflag:s8], $0x0  }
0x24: {  	s3 =	sadd.s32 $0x88, s3;
	s6 =	simm.s32 @!p1 $0x1082;
	[sflag:s4] =	ssyncset.s32 $0xFFFFF086  }
0x25: {  	[simem:s6], [sflag:s4] =	dma.local [hbm:s3], $0xF7A  }
0x26: {  	[smem:$0x3F8E] =	sst s1;
	(tag) =	ssettag s2;
	_ =	strace s9  }
0x27: {  	s1 =	sld [smem:$0x3F9E]  }
0x28: {  	s2 =	sld [smem:$0x3F9F]  }
0x29: {  	s4 =	sld [smem:$0x3FA1]  }
0x2a: {  	p0 =	seq.s32 s5, $0x0;
	s5 =	sld [smem:$0x3FA2]  }
0x2b: {  	s6 =	sld [smem:$0x3FA3]  }
0x2c: {  	s7 =	sld [smem:$0x3FA4]  }
0x2d: {  	s3 =	simm.s32 $0x108;
	s8 =	sld [smem:$0x3FA5]  }
0x2e: {  	s3 =	simm.s32 @!p0 $0x1082;
	s9 =	sld [smem:$0x3FA6]  }
0x2f: {  	lr =	sadd.s32 s0, s3;
	s0 =	sld [smem:$0x3F9D]  }
0x30: {  	s3 =	sld [smem:$0x3FA0]  }
0x31: {  	[smem:$0x3FA9] =	sst s10  }
0x32: {  	s10 =	sld [smem:$0x3FA7];
	_ =	sdelay $0x3  }
0x33: {  	p0 =	seq.s32 s10, $0x1;
	s10 =	sld [smem:$0x3FA9];
	_ =	sdelay $0x3  }
0x34: {  	[smem:$0x3FA9] =	sst s10  }
0x35: {  	s10 =	sld [smem:$0x3FA8];
	_ =	sdelay $0x3  }
0x36: {  	p1 =	seq.s32 s10, $0x1;
	s10 =	sld [smem:$0x3FA9];
	_ =	sdelay $0x3  }
0x37: {  	[smem:$0x3FA9] =	sst s10  }
0x38: {  	s10 =	sld [smem:$0x3FAA]  }
0x39: {  	_ = 	snop;
	(pc) =	sbr.ind lr, $3  }
0x3a: {  	_ = 	snop  }
0x3b: {  	_ = 	snop  }
0x3c: {  	p2 =	seq.s32 s10, $0x1;
	s10 =	sld [smem:$0x3FA9]  }
0x3d: {  	_ =	shalt  }
0x3e: {  	_ =	shalt  }
0x3f: {  	_ =	shalt  }
0x40: {  	_ =	shalt  }
0x41: {  	_ =	shalt  }
0x42: {  	_ =	shalt  }
0x43: {  	_ =	shalt  }
0x44: {  	_ =	shalt  }
0x45: {  	_ =	shalt  }
0x46: {  	_ =	shalt  }
0x47: {  	_ =	shalt  }
0x48: {  	_ =	shalt  }
0x49: {  	_ =	shalt  }
0x4a: {  	_ =	shalt  }
0x4b: {  	_ =	shalt  }
0x4c: {  	_ =	shalt  }
0x4d: {  	_ =	shalt  }
0x4e: {  	_ =	shalt  }
0x4f: {  	_ =	shalt  }
0x50: {  	_ =	shalt  }
0x51: {  	_ =	shalt  }
0x52: {  	_ =	shalt  }
0x53: {  	_ =	shalt  }
0x54: {  	_ =	shalt  }
0x55: {  	_ =	shalt  }
0x56: {  	_ =	shalt  }
0x57: {  	_ =	shalt  }
0x58: {  	_ =	shalt  }
0x59: {  	_ =	shalt  }
0x5a: {  	_ =	shalt  }
0x5b: {  	_ =	shalt  }
0x5c: {  	_ =	shalt  }
0x5d: {  	_ =	shalt  }
0x5e: {  	_ =	shalt  }
0x5f: {  	_ =	shalt  }
0x60: {  	_ =	shalt  }
0x61: {  	_ =	shalt  }
0x62: {  	_ =	shalt  }
0x63: {  	_ =	shalt  }
0x64: {  	_ =	shalt  }
0x65: {  	_ =	shalt  }
0x66: {  	_ =	shalt  }
0x67: {  	_ =	shalt  }
0x68: {  	_ =	shalt  }
0x69: {  	_ =	shalt  }
0x6a: {  	_ =	shalt  }
0x6b: {  	_ =	shalt  }
0x6c: {  	_ =	shalt  }
0x6d: {  	_ =	shalt  }
0x6e: {  	_ =	shalt  }
0x6f: {  	_ =	shalt  }
0x70: {  	_ =	shalt  }
0x71: {  	_ =	shalt  }
0x72: {  	_ =	shalt  }
0x73: {  	_ =	shalt  }
0x74: {  	_ =	shalt  }
0x75: {  	_ =	shalt  }
0x76: {  	_ =	shalt  }
0x77: {  	_ =	shalt  }
0x78: {  	_ =	shalt  }
0x79: {  	_ =	shalt  }
0x7a: {  	_ =	shalt  }
0x7b: {  	_ =	shalt  }
0x7c: {  	_ =	shalt  }
0x7d: {  	_ =	shalt  }
0x7e: {  	_ =	shalt  }
0x7f: {  	_ =	shalt  }
0x80: {  	_ =	shalt  }
0x81: {  	_ =	shalt  }
0x82: {  	_ =	shalt  }
0x83: {  	_ =	shalt  }
0x84: {  	_ =	shalt  }
0x85: {  	_ =	shalt  }
0x86: {  	_ =	shalt  }
0x87: {  	_ =	shalt  }
.Lfunc_end0:
.L_simem_size_0:
called_computation_lowered:
.L_overlay_start_0:
0x88: {  	s2 =	sld [smem:$0x3FD9]  }
0x89: {  	s3 =	sld [smem:$0x3FFE];
	_ =	sdelay $0x1  }
0x8a: {  	s1 =	srdreg.scid  }
0x8b: {  	s0 =	sand.u32 $0x1, s1  }
0x8c: {  	s17 =	sshll.u32 s0, $0xA;
	s2 =	sadd.s32 s3, s2  }
0x8d: {  	s2 =	sadd.s32 s2, s17  }
0x8e: {  	[smem:$0x3FB5] =	sst s2  }
0x8f: {  	_ = 	snop  }
0x90: {  	s2 =	sld [smem:$0x3FC9]  }
0x91: {  	s18 =	sld [smem:$0x3FD0];
	(tm) =	ssettm $0x1  }
0x92: {  	s4 =	sld [smem:$0x3FFB];
	_ =	sdelay $0x3  }
0x93: {  	_ =	strace s4  }
0x94: {  	s4 =	sld [smem:$0x3FFC];
	_ =	sdelay $0x3  }
0x95: {  	_ =	strace s4  }
0x96: {  	s4 =	sld [smem:$0x3FFD];
	_ =	sdelay $0x3  }
0x97: {  	_ =	strace s4  }
0x98: {  	_ =	strace $0x8FFFFFFF  }
0x99: {  	s19 =	sld [smem:$0x3FDB];
	_ =	sdelay $0x1  }
0x9a: {  	s5 =	simm.s32 $_scs_section_size  }
0x9b: {  	s6 =	simm.s32 $_size__tile_overlayer_lowered;
	s7 =	simm.s32 $_tile_overlayer_lowered  }
0x9c: {  	s22 =	simm.s32 $0x1BFF;
	s21 =	sshll.u32 s7, $0x1;
	s4 =	sadd.s32 s5, s19  }
0x9d: {  	s8 =	simm.s32 $0x0;
	s20 =	sshll.u32 s6, $0x1;
	s6 =	sadd.s32 s21, s4  }
0x9e: {  	[timem:s8], [sflag:s22] =	dma.local [hbm:s6], s20  }
0x9f: {  	_ =	swait.ge [sflag:s22], s20  }
0xa0: {  	s5 =	ssub.s32 $0x0, s20;
	[sflag:s22] =	ssyncset.done $0x0  }
0xa1: {  	[sflag:s22] =	ssyncadd.s32 s5;
	_ =	sdelay $0x1  }
0xa2: {  	s23 =	simm.s32 $0x1B8B  }
0xa3: {  	_ =	swait.ge [sflag:s23], $0x1  }
0xa4: {  	[sflag:s23] =	ssyncset.done $0x0  }
0xa5: {  	s25 =	simm.s32 $0x1B8E;
	s24 =	sld [smem:$0x3FFE];
	[sflag:s23] =	ssyncadd.s32 $0xFFFFFFFF  }
0xa6: {  	s26 =	simm.s32 $execute0_lowered;
	[smem:$0x3FD2] =	sst s25  }
0xa7: {  	s6 =	sshll.u32 s26, $0x1;
	_ =	strace $0x80000046;
	[dreg:$0x1] =	wrdreg $0xFFFFFFFF  }
0xa8: {  	s28 =	simm.s32 $_size_execute0_lowered;
	s4 =	sadd.s32 s4, s6;
	[dreg:$0x0] =	wrdreg $0x0  }
0xa9: {  	s6 =	sshll.u32 s28, $0x1;
	[dreg:$0x2] =	wrdreg s4  }
0xaa: {  	[dreg:$0x3] =	wrdreg s6  }
0xab: {  	[dreg:$0x4] =	wrdreg $0xC0  }
0xac: {  	_ =	task [dreg:s8], $0x5FFFF  }
0xad: {  	[dreg:$0x1] =	wrdreg $0xFFFFFFFF  }
0xae: {  	[dreg:$0x0] =	wrdreg $0x60  }
0xaf: {  	[dreg:$0x2] =	wrdreg s2  }
0xb0: {  	[dreg:$0x3] =	wrdreg s24  }
0xb1: {  	[dreg:$0x4] =	wrdreg s18  }
0xb2: {  	[dreg:$0x5] =	wrdreg $0x9  }
0xb3: {  	_ =	task.clear_ibuf [dreg:s8], $0x6FFFF;
	_ =	strace $0x90000046  }
0xb4: {  	s29 =	simm.s32 $0x9;
	_ =	strace $0x80000048  }
0xb5: {  	_ =	swait.ge [sflag:s29], $0x1  }
0xb6: {  	[sflag:s29] =	ssyncadd.s32 $0xFFFFFFFF  }
0xb7: {  	_ =	strace $0x90000048  }
0xb8: {  	_ =	sfence  }
0xb9: {  	s30 =	sld [smem:$0x0];
	_ =	sdelay $0x2  }
0xba: {  	s31 =	sshll.u32 s1, $0xD;
	s1 =	sshrl.u32 s1, $0x2  }
0xbb: {  	s3 =	sand.u32 $0x4000, s31;
	s1 =	sadd.s32 s1, s30  }
0xbc: {  	s0 =	sor.u32 s3, s0;
	s1 =	sshll.u32 s1, $0x11  }
0xbd: {  	s0 =	sor.u32 s1, s0  }
0xbe: {  	s0 =	sadd.s32 $0x8F2B, s0  }
0xbf: {  	[sflag:s0] =	ssyncadd.remote.s32 $0x1  }
0xc0: {  	_ =	sfence.sel $0xFFFF  }
0xc1: {  	[dreg:$0x0] =	wrdreg $0xFFFFFFFF;
	(pc) =	sbr.abs _section_cstart, $3  }
0xc2: {  	[dreg:$0x1] =	wrdreg $0xFFFFFFFF  }
0xc3: {  	_ =	task.clear_ibuf [dreg:s8], $0x2FFFF;
	_ =	strace $0x9FFFFFFF  }
0xc4: {  	(tm) =	ssettm $0x7FFFFFFF  }
0xc5: {  	_ =	shalt  }
tec
execute0_lowered:
.L_overlay_start_1:
0x0: {  	(tag) =	ssettag $0x1  }
0x1: {  	s3 =	rddreg [dreg:$0x0];
	s1 =	srdreg.scid  }
0x2: {  	s12 =	rddreg [dreg:$0x1];
	s0 =	stileid.u32;
	s15 =	sand.u32 $0x1, s1  }
0x3: {  	s16 =	rddreg [dreg:$0x2];
	s4 =	sshll.u32 s0, $0xA;
	s5 =	sshll.u32 s15, $0x9  }
0x4: {  	s2 =	simm.s32 $0x0;
	s1 =	rddreg [dreg:$0x3];
	s13 =	sor.u32 s5, s4  }
0x5: {  	[smem:$0x7FF] =	sst s2;
	s17 =	sshrl.u32 s13, $0x3  }
0x6: {  	_ =	strace $0x80000047;
	s4 =	sadd.s32 s3, s17;
	s3 =	simm.s32 $0x4  }
0x7: {  	[tilespmem:s2], [sflag:$0x4] =	stream.linear.gather [hbm4b:s4+s2], $0x200, $0x38;
	[tilespmem:$0x10400] =	vst v63  }
0x8: {  	_ =	swait.ge [sflag:s3], $0x200  }
0x9: {  	[sflag:s3] =	ssyncset.done $0x0  }
0xa: {  	s6 =	simm.s32 $0x200;
	s5 =	sadd.s32 $0x16E5C00, s12;
	[sflag:s3] =	ssyncadd.s32 $0xFFFFFE00  }
0xb: {  	[tilespmem:s6], [sflag:$0x1] =	stream.indirect.gather [hbm4b:s5+s6], $0x40, s2, s6, $0xb8;
	[tilespmem:$0x10400] =	vst v63  }
0xc: {  	s8 =	simm.s32 $0x8200;
	s7 =	sadd.s32 $0xF44A00, s12  }
0xd: {  	[tilespmem:s8], [sflag:$0x2] =	stream.indirect.gather [hbm4b:s7+s6], $0x40, s2, s6, $0xb8;
	[tilespmem:$0x10400] =	vst v63  }
0xe: {  	s10 =	simm.s32 $0x10200;
	s11 =	simm.s32 $0x1;
	s9 =	sadd.s32 $0x2600, s12  }
0xf: {  	[tilespmem:s10], [sflag:$0x3] =	stream.indirect.gather [hbm4b:s9+s6], $0x1, s2, s6, $0xb8;
	[tilespmem:$0x10400] =	vst v63  }
0x10: {  	s13 =	sshll.u32 s13, $0x3;
	_ =	swait.ge [sflag:s11], $0x8000  }
0x11: {  	s14 =	sadd.s32 s13, s12;
	[sflag:s11] =	ssyncset.done $0x0  }
0x12: {  	s12 =	sadd.s32 $0x41000, s14;
	[sflag:s11] =	ssyncadd.s32 $0xFFFF8000  }
0x13: {  	[hbm4b:s12+s2] =	stream.linear.scatter [tilespmem:s6], [sflag:$0x4], $0x8000, $0x38;
	[tilespmem:$0x10400] =	vst v63  }
0x14: {  	_ =	swait.ge [sflag:s3], $0x8000  }
0x15: {  	[sflag:s3] =	ssyncset.done $0x0  }
0x16: {  	s13 =	simm.s32 $0x2;
	[sflag:s3] =	ssyncadd.s32 $0xFFFF8000  }
0x17: {  	_ =	swait.ge [sflag:s13], $0x8000  }
0x18: {  	[sflag:s13] =	ssyncset.done $0x0  }
0x19: {  	s18 =	ssub.s32 $0x2, s15;
	s14 =	sadd.s32 $0x21000, s14;
	[sflag:s13] =	ssyncadd.s32 $0xFFFF8000  }
0x1a: {  	[hbm4b:s14+s2] =	stream.linear.scatter [tilespmem:s8], [sflag:$0x4], $0x8000, $0x38;
	[tilespmem:$0x10400] =	vst v63  }
0x1b: {  	s19 =	sshrl.u32 s18, $0x1;
	_ =	swait.ge [sflag:s3], $0x8000  }
0x1c: {  	s18 =	ssub.s32 s18, s19;
	[sflag:s3] =	ssyncset.done $0x0  }
0x1d: {  	s15 =	simm.s32 $0x3;
	s31 =	smax.u32 s18, $0x1;
	[sflag:s3] =	ssyncadd.s32 $0xFFFF8000  }
0x1e: {  	p0 =	sne.s32 s31, $0x1;
	_ =	swait.ge [sflag:s15], $0x200  }
.Ltmp0:
0x1f: {  	[sflag:s15] =	ssyncset.done $0x0;
	(pc) =	sbr.rel @!p0 .LBB2_2-.Ltmp0, $4  }
0x20: {  	s16 =	sadd.s32 s16, s17;
	[sflag:s15] =	ssyncadd.s32 $0xFFFFFE00  }
0x21: {  	[hbm4b:s16+s2] =	stream.linear.scatter [tilespmem:s10], [sflag:$0x4], $0x200, $0x38;
	[tilespmem:$0x10400] =	vst v63  }
0x22: {  	_ =	swait.ge [sflag:s3], $0x200  }
0x23: {  	s17 =	sadd.s32 $0xFFFFFFFF, s31;
	[sflag:s3] =	ssyncset.done $0x0  }
.LBB2_1:
0x24: {  	p0 =	sne.s32 s17, $0x1;
	s17 =	sadd.s32 $0xFFFFFFFF, s17;
	[sflag:s3] =	ssyncadd.s32 $0xFFFFFE00  }
0x25: {  	[tilespmem:s2], [sflag:$0x4] =	stream.linear.gather [hbm4b:s4+s2], $0x200, $0x38;
	[tilespmem:$0x10400] =	vst v63  }
0x26: {  	_ =	swait.ge [sflag:s3], $0x200  }
0x27: {  	[sflag:s3] =	ssyncset.done $0x0  }
0x28: {  	[sflag:s3] =	ssyncadd.s32 $0xFFFFFE00  }
0x29: {  	[tilespmem:s6], [sflag:$0x1] =	stream.indirect.gather [hbm4b:s5+s6], $0x40, s2, s6, $0xb8;
	[tilespmem:$0x10400] =	vst v63  }
0x2a: {  	_ = 	snop  }
0x2b: {  	[tilespmem:s8], [sflag:$0x2] =	stream.indirect.gather [hbm4b:s7+s6], $0x40, s2, s6, $0xb8;
	[tilespmem:$0x10400] =	vst v63  }
0x2c: {  	_ = 	snop  }
0x2d: {  	[tilespmem:s10], [sflag:$0x3] =	stream.indirect.gather [hbm4b:s9+s6], $0x1, s2, s6, $0xb8;
	[tilespmem:$0x10400] =	vst v63  }
0x2e: {  	_ =	swait.ge [sflag:s11], $0x8000  }
0x2f: {  	[sflag:s11] =	ssyncset.done $0x0  }
0x30: {  	[sflag:s11] =	ssyncadd.s32 $0xFFFF8000  }
0x31: {  	[hbm4b:s12+s2] =	stream.linear.scatter [tilespmem:s6], [sflag:$0x4], $0x8000, $0x38;
	[tilespmem:$0x10400] =	vst v63  }
0x32: {  	_ =	swait.ge [sflag:s3], $0x8000  }
0x33: {  	[sflag:s3] =	ssyncset.done $0x0  }
0x34: {  	[sflag:s3] =	ssyncadd.s32 $0xFFFF8000  }
0x35: {  	_ =	swait.ge [sflag:s13], $0x8000  }
0x36: {  	[sflag:s13] =	ssyncset.done $0x0  }
0x37: {  	[sflag:s13] =	ssyncadd.s32 $0xFFFF8000  }
0x38: {  	[hbm4b:s14+s2] =	stream.linear.scatter [tilespmem:s8], [sflag:$0x4], $0x8000, $0x38;
	[tilespmem:$0x10400] =	vst v63  }
0x39: {  	_ =	swait.ge [sflag:s3], $0x8000  }
0x3a: {  	[sflag:s3] =	ssyncset.done $0x0  }
0x3b: {  	[sflag:s3] =	ssyncadd.s32 $0xFFFF8000  }
0x3c: {  	_ =	swait.ge [sflag:s15], $0x200  }
.Ltmp1:
0x3d: {  	[sflag:s15] =	ssyncset.done $0x0;
	(pc) =	sbr.rel @p0 .LBB2_1-.Ltmp1, $4  }
0x3e: {  	[sflag:s15] =	ssyncadd.s32 $0xFFFFFE00  }
0x3f: {  	[hbm4b:s16+s2] =	stream.linear.scatter [tilespmem:s10], [sflag:$0x4], $0x200, $0x38;
	[tilespmem:$0x10400] =	vst v63  }
0x40: {  	_ =	swait.ge [sflag:s3], $0x200  }
0x41: {  	[sflag:s3] =	ssyncset.done $0x0  }
.LBB2_2:
0x42: {  	[sflag:s3] =	ssyncadd.s32 $0xFFFFFE00  }
0x43: {  	_ =	sfence.sel $0x180000  }
0x44: {  	[bflag:$0x0] =	sbarrier.arrive $0xFFFF  }
0x45: {  	p0 =	sne.s32 s0, $0x0;
	_ =	strace $0x90000047  }
0x46: {  	s0 =	sadd.s32 @!p0 $0x100000, s1;
	[bflag:$0x2] =	sbarrier.arrive $0xFFFF  }
0x47: {  	[sflag:s0] =	ssyncadd.tile.s32 @!p0 $0x1;
	_ =	shalt  }
.Lfunc_end2:
_tile_overlayer_lowered:
.L_overlay_start_2:
0x48: {  	(tag) =	ssettag $0x2  }
0x49: {  	s0 =	rddreg [dreg:$0x0];
	s2 =	stileid.u32  }
0x4a: {  	s1 =	rddreg [dreg:$0x1];
	p0 =	sne.s32 s2, $0x0  }
0x4b: {  	s3 =	rddreg [dreg:$0x2];
	[bflag:$0x3] =	sbarrier.arrive $0xFFFF;
	s2 =	simm.s32 @!p0 $0x1C04  }
0x4c: {  	[timem:s3], [sflag:s2] =	dma.local @!p0 [hbm:s0], s1  }
0x4d: {  	s0 =	simm.s32 @!p0 $0x4  }
0x4e: {  	_ =	swait.ge @!p0 [sflag:s0], s1  }
0x4f: {  	s1 =	ssub.s32 @!p0 $0x0, s1;
	[sflag:s0] =	ssyncset.done @!p0 $0x0  }
0x50: {  	[sflag:s0] =	ssyncadd.s32 @!p0 s1  }
0x51: {  	[bflag:$0x3] =	sbarrier.arrive $0xFFFF  }
0x52: {  	_ =	shalt  }

</sc_bundles>
